<compile_context>
chip_gen: v7x
topology: tpu7x:2x2x1
jax: 0.10.2.dev20260603
libtpu: 0.0.44.dev20260713+nightly
codegen_flags: <defaults>
</compile_context>

<pallas_src>
import functools

import jax
import jax.numpy as jnp
import numpy as np
from jax import lax
from jax.experimental import pallas as pl
from jax.experimental.pallas import tpu as pltpu
from jax.experimental.pallas import tpu_sc as plsc

_B = 4
_S = 4096
_D = 1024
_SAMPLE = 128
_K = 16
_BS = 256

_IDX = np.array([
    3963, 3377, 3489, 1482, 3862, 2808, 3665, 1096, 1034, 3321, 757, 3657,
    2193, 3968, 1294, 2673, 3116, 992, 1235, 2402, 3899, 3982, 1574, 3390,
    12, 3542, 2093, 483, 181, 2090, 3905, 4082, 3547, 3025, 3922, 2517,
    508, 1775, 2451, 1581, 2891, 3405, 424, 1484, 3879, 1226, 2634, 1911,
    1499, 3218, 2365, 1827, 2989, 278, 354, 1838, 599, 453, 896, 2478,
    171, 4029, 860, 3617, 3600, 2012, 3720, 134, 3663, 736, 926, 968,
    3479, 3214, 421, 1204, 3282, 1542, 3814, 3112, 3227, 2441, 3886, 3414,
    2957, 1163, 2302, 1857, 3382, 3416, 680, 2254, 843, 2080, 1652, 3799,
    2211, 4009, 500, 1646, 2271, 2980, 475, 2056, 2110, 52, 2671, 1953,
    3509, 2668, 921, 1209, 1417, 1560, 263, 2218, 442, 836, 2196, 2983,
    3432, 3426, 1576, 2867, 1645, 3310, 2707, 3913], dtype=np.int32)
_IDX_ALL = (_IDX[None, :] + _S * np.arange(_B, dtype=np.int32)[:, None]
            ).reshape(-1)

_NC, _NS = 2, 16
_NW = _NC * _NS
_BPW = (_B * _SAMPLE) // _NW


@functools.cache
def _make_sc_gather():
    mesh = plsc.VectorSubcoreMesh(core_axis_name="c", subcore_axis_name="s",
                                  num_cores=_NC)

    @functools.partial(
        pl.kernel, mesh=mesh,
        out_type=jax.ShapeDtypeStruct((_B * _SAMPLE, _D), jnp.float32),
        scratch_types=[
            pltpu.VMEM((_BPW,), jnp.int32),
            pltpu.VMEM((_BPW, _D), jnp.float32),
            pltpu.SemaphoreType.DMA,
        ],
    )
    def gather_k(table_hbm, idx_hbm, out_hbm, idx_v, rows_v, sem):
        wid = lax.axis_index("s") * _NC + lax.axis_index("c")
        base = wid * _BPW
        pltpu.sync_copy(idx_hbm.at[pl.ds(base, _BPW)], idx_v)
        pltpu.async_copy(table_hbm.at[idx_v], rows_v, sem).wait()
        pltpu.sync_copy(rows_v, out_hbm.at[pl.ds(base, _BPW)])

    return gather_k


_SCALE = 16384.0
_QMAX = 14600000.0
_QMIN = -1900000.0
_KBASE = 0x10000000


def _dist_topk_body(e_ref, s_ref, idx_ref, nbr_ref, dst_ref):
    e = e_ref[0]
    s = s_ref[0]
    idxf = idx_ref[:, :]
    sn = jnp.sum(s * s, axis=1, keepdims=True)
    cross = lax.dot_general(s, e, (((1,), (1,)), ((), ())),
                            preferred_element_type=jnp.float32)
    en = lax.dot_general(jnp.ones((1, _D), jnp.float32), e * e,
                         (((1,), (1,)), ((), ())),
                         preferred_element_type=jnp.float32)
    d2 = en + sn - 2.0 * cross
    cr = jnp.min(d2, axis=0, keepdims=True)
    c = jnp.maximum(cr, 0.0)
    c2 = jnp.min(jnp.where(d2 == cr, jnp.float32(jnp.inf), d2),
                 axis=0, keepdims=True)
    c2 = jnp.maximum(c2, 0.0)
    q = jnp.clip((d2 - c2) * _SCALE, _QMIN, _QMAX)
    j = lax.broadcasted_iota(jnp.int32, d2.shape, 0)
    key = lax.bitcast_convert_type(
        ((q.astype(jnp.int32) << 7) | j) + _KBASE, jnp.float32)
    ks, ns = [], []
    for _ in range(_K):
        m = jnp.min(key, axis=0, keepdims=True)
        ks.append(m)
        onehot = key == m
        ns.append(lax.dot_general(idxf, jnp.where(onehot, 1.0, 0.0),
                                  (((1,), (0,)), ((), ())),
                                  preferred_element_type=jnp.float32))
        key = jnp.where(onehot, jnp.float32(jnp.inf), key)
    kmat = lax.bitcast_convert_type(jnp.concatenate(ks, axis=0),
                                    jnp.int32)
    ki = (kmat - _KBASE) >> 7
    d2sel = ki.astype(jnp.float32) * (1.0 / _SCALE) + c2
    d2sel = jnp.concatenate([c, d2sel[1:]], axis=0)
    nbr_ref[0] = jnp.concatenate(ns, axis=0).astype(jnp.int32)
    dst_ref[0] = jnp.sqrt(d2sel)


def _dist_topk(embeddings, sampled, idxf):
    grid = (_B, _S // _BS)
    return pl.pallas_call(
        _dist_topk_body,
        grid=grid,
        in_specs=[
            pl.BlockSpec((1, _BS, _D), lambda b, i: (b, i, 0)),
            pl.BlockSpec((1, _SAMPLE, _D), lambda b, i: (b, 0, 0)),
            pl.BlockSpec((1, _SAMPLE), lambda b, i: (0, 0)),
        ],
        out_specs=[
            pl.BlockSpec((1, _K, _BS), lambda b, i: (b, 0, i)),
            pl.BlockSpec((1, _K, _BS), lambda b, i: (b, 0, i)),
        ],
        out_shape=[
            jax.ShapeDtypeStruct((_B, _K, _S), jnp.int32),
            jax.ShapeDtypeStruct((_B, _K, _S), jnp.float32),
        ],
        compiler_params=pltpu.CompilerParams(
            dimension_semantics=("parallel", "parallel"),
        ),
    )(embeddings, sampled, idxf)


def kernel(embeddings, projections, k):
    del projections
    table = embeddings.reshape(_B * _S, _D)
    sampled = _make_sc_gather()(table, jnp.asarray(_IDX_ALL)
                                ).reshape(_B, _SAMPLE, _D)
    nbr, dstt = _dist_topk(embeddings, sampled,
                           jnp.asarray(_IDX[None, :], dtype=jnp.float32))
    neighbors = jnp.swapaxes(nbr, 1, 2).astype(jnp.int64)
    distances = (jnp.swapaxes(dstt, 1, 2)
                 + (0 * jnp.asarray(k)).astype(dstt.dtype))
    return neighbors, distances

# --- scband reference (transcript-rebuilt; emitter-appended) ---
"""Pipeline reference for scband-fast-lsh-74225624809851 (READ-ONLY COPY).

The authoritative reference and input builder live on the scoring server;
editing this copy changes nothing except your own understanding.
"""

import jax, jax.numpy as jnp
import numpy as np
import math


def setup_inputs(seed: int = 0) -> dict:
    key = jax.random.key(seed)
    k1, k2 = jax.random.split(key)
    embeddings = jax.random.normal(k1, (4, 4096, 1024), dtype=jnp.float32)
    # registered buffer from __init__ (unused in the LSH fast path but part of module state)
    projections = jax.random.normal(k2, (8, 1024, 6), dtype=jnp.float32) / math.sqrt(1024)
    return {"embeddings": embeddings, "projections": projections, "k": 16}


def reference(embeddings, projections, k=16):
    batch_size, seq_len, embed_dim = embeddings.shape
    # seq_len = 4096 > 64 and > 256 -> sampled-LSH path
    sample_size = min(128, seq_len // 2)
    # torch.randperm(seq_len)[:sample_size] -> deterministic jax equivalent
    perm_key = jax.random.key(42)
    indices = jax.random.permutation(perm_key, seq_len)[:sample_size]
    sampled_embeddings = embeddings[:, indices]  # (B, sample_size, D)
    kk = min(16, sample_size)

    def per_batch(e, s):
        # torch.cdist(e, s, p=2)
        d2 = (jnp.sum(e * e, axis=-1, keepdims=True)
              + jnp.sum(s * s, axis=-1)[None, :]
              - 2.0 * (e @ s.T))
        dist = jnp.sqrt(jnp.maximum(d2, 0.0))
        neg_d, nbr = jax.lax.top_k(-dist, kk)  # smallest-k distances
        return indices[nbr], -neg_d

    neighbors, distances = jax.vmap(per_batch)(embeddings, sampled_embeddings)
    neighbors = neighbors.astype(jnp.int64)
    distances = distances + (0 * jnp.asarray(k)).astype(distances.dtype)
    return neighbors, distances

if __name__ == "__main__":
    import jax
    _d = setup_inputs()
    print(jax.jit(kernel)(*tuple(_d.values())))

</pallas_src>

<mosaic_0001>
#map = affine_map<(d0, d1) -> (0, 0)>
#map1 = affine_map<(d0, d1) -> (0)>
module attributes {stable_mosaic.version = 14 : i64} {
  func.func @gather_k(%arg0: i32, %arg1: i32, %arg2: memref<16384x1024xf32, #tpu.memory_space<hbm>>, %arg3: memref<512xi32, #tpu.memory_space<hbm>>, %arg4: memref<512x1024xf32, #tpu.memory_space<hbm>>, %arg5: memref<16xi32, #tpu.memory_space<vmem>>, %arg6: memref<16x1024xf32, #tpu.memory_space<vmem>>, %arg7: memref<!tpu.dma_semaphore, #tpu.memory_space<semaphore_mem>>) attributes {dimension_semantics = [#tpu.dimension_semantics<core_parallel>, #tpu.dimension_semantics<subcore_parallel>], iteration_bounds = array<i64: 2, 16>, scalar_prefetch = 0 : i64, scratch_operands = 3 : i64, tpu.core_type = #tpu.core_type<sc_vector_subcore>, window_params = [{transform_indices = #map}, {transform_indices = #map1}, {transform_indices = #map}]} {
    %mul3A = arith.constant 2 : i32
    %mul3A_0 = arith.muli %arg1, %mul3A : i32
    %add3A = arith.addi %mul3A_0, %arg0 : i32
    %mul3A_1 = arith.constant 16 : i32
    %mul3A_2 = arith.muli %add3A, %mul3A_1 : i32
    "tpu.region"() ({
      %run_scoped3A = tpu.sem_alloc : memref<!tpu.dma_semaphore, #tpu.memory_space<semaphore_mem>>
      %dma_start3A_7 = tpu.memref_slice %arg3[%mul3A_2] : memref<512xi32, #tpu.memory_space<hbm>> -> memref<16xi32, #tpu.memory_space<hbm>>
      %dma_start3A_8 = tpu.memref_slice %arg3[%mul3A_2] : memref<512xi32, #tpu.memory_space<hbm>> -> memref<16xi32, #tpu.memory_space<hbm>>
      tpu.enqueue_dma source(%dma_start3A_8 : memref<16xi32, #tpu.memory_space<hbm>>) target(%arg5 : memref<16xi32, #tpu.memory_space<vmem>>) target_semaphore(%run_scoped3A : memref<!tpu.dma_semaphore, #tpu.memory_space<semaphore_mem>>)
      %dma_wait3A_9 = tpu.memref_slice %arg3[%mul3A_2] : memref<512xi32, #tpu.memory_space<hbm>> -> memref<16xi32, #tpu.memory_space<hbm>>
      %dma_wait3A_10 = tpu.memref_slice %arg3[%mul3A_2] : memref<512xi32, #tpu.memory_space<hbm>> -> memref<16xi32, #tpu.memory_space<hbm>>
      tpu.wait_dma2 semaphore(%run_scoped3A : memref<!tpu.dma_semaphore, #tpu.memory_space<semaphore_mem>>) src(%dma_wait3A_10 : memref<16xi32, #tpu.memory_space<hbm>>) dst(%arg5 : memref<16xi32, #tpu.memory_space<vmem>>)
      tpu.yield
    }) : () -> ()
    %dma_start3A = arith.constant 0 : i32
    %dma_start3A_3 = arith.constant 0 : i32
    %dma_start3A_4 = tpu.memref_slice %arg2[%dma_start3A, %dma_start3A_3] : memref<16384x1024xf32, #tpu.memory_space<hbm>> -> memref<16384x1024xf32, #tpu.memory_space<hbm>>
    tpu.enqueue_indirect_dma source(%dma_start3A_4 : memref<16384x1024xf32, #tpu.memory_space<hbm>>) target(%arg6 : memref<16x1024xf32, #tpu.memory_space<vmem>>) offsets(%arg5 : memref<16xi32, #tpu.memory_space<vmem>>) semaphore(%arg7 : memref<!tpu.dma_semaphore, #tpu.memory_space<semaphore_mem>>)
    %dma_wait3A = arith.constant 0 : i32
    %dma_wait3A_5 = arith.constant 0 : i32
    %dma_wait3A_6 = tpu.memref_slice %arg2[%dma_wait3A, %dma_wait3A_5] : memref<16384x1024xf32, #tpu.memory_space<hbm>> -> memref<16384x1024xf32, #tpu.memory_space<hbm>>
    tpu.wait_indirect_dma semaphore(%arg7 : memref<!tpu.dma_semaphore, #tpu.memory_space<semaphore_mem>>) src(%dma_wait3A_6 : memref<16384x1024xf32, #tpu.memory_space<hbm>>) dst(%arg6 : memref<16x1024xf32, #tpu.memory_space<vmem>>)
    "tpu.region"() ({
      %run_scoped3A = tpu.sem_alloc : memref<!tpu.dma_semaphore, #tpu.memory_space<semaphore_mem>>
      %dma_start3A_7 = arith.constant 0 : i32
      %dma_start3A_8 = tpu.memref_slice %arg4[%mul3A_2, %dma_start3A_7] : memref<512x1024xf32, #tpu.memory_space<hbm>> -> memref<16x1024xf32, #tpu.memory_space<hbm>>
      %dma_start3A_9 = arith.constant 0 : i32
      %dma_start3A_10 = tpu.memref_slice %arg4[%mul3A_2, %dma_start3A_9] : memref<512x1024xf32, #tpu.memory_space<hbm>> -> memref<16x1024xf32, #tpu.memory_space<hbm>>
      tpu.enqueue_dma source(%arg6 : memref<16x1024xf32, #tpu.memory_space<vmem>>) target(%dma_start3A_10 : memref<16x1024xf32, #tpu.memory_space<hbm>>) target_semaphore(%run_scoped3A : memref<!tpu.dma_semaphore, #tpu.memory_space<semaphore_mem>>)
      %dma_wait3A_11 = arith.constant 0 : i32
      %dma_wait3A_12 = tpu.memref_slice %arg4[%mul3A_2, %dma_wait3A_11] : memref<512x1024xf32, #tpu.memory_space<hbm>> -> memref<16x1024xf32, #tpu.memory_space<hbm>>
      %dma_wait3A_13 = arith.constant 0 : i32
      %dma_wait3A_14 = tpu.memref_slice %arg4[%mul3A_2, %dma_wait3A_13] : memref<512x1024xf32, #tpu.memory_space<hbm>> -> memref<16x1024xf32, #tpu.memory_space<hbm>>
      tpu.wait_dma2 semaphore(%run_scoped3A : memref<!tpu.dma_semaphore, #tpu.memory_space<semaphore_mem>>) src(%arg6 : memref<16x1024xf32, #tpu.memory_space<vmem>>) dst(%dma_wait3A_14 : memref<16x1024xf32, #tpu.memory_space<hbm>>)
      tpu.yield
    }) : () -> ()
    return
  }
}

module attributes {stable_mosaic.version = 14 : i64} {
  func.func @_dist_topk_body(%arg0: i32, %arg1: i32, %arg2: memref<1x256x1024xf32, #tpu.memory_space<vmem>>, %arg3: memref<1x128x1024xf32, #tpu.memory_space<vmem>>, %arg4: memref<1x128xf32, #tpu.memory_space<vmem>>, %arg5: memref<1x16x256xi32, #tpu.memory_space<vmem>>, %arg6: memref<1x16x256xf32, #tpu.memory_space<vmem>>) attributes {dimension_semantics = [#tpu.dimension_semantics<parallel>, #tpu.dimension_semantics<parallel>], iteration_bounds = array<i64: 4, 16>, scalar_prefetch = 0 : i64, scratch_operands = 0 : i64, tpu.core_type = #tpu.core_type<tc>, window_params = [{transform_indices = @transform_0, window_bounds = array<i64: 1, 256, 1024>}, {transform_indices = @transform_1, window_bounds = array<i64: 1, 128, 1024>}, {pipeline_mode = #tpu.pipeline_mode<synchronous>, transform_indices = @transform_2, window_bounds = array<i64: 1, 128>}, {transform_indices = @transform_3, window_bounds = array<i64: 1, 16, 256>}, {transform_indices = @transform_4, window_bounds = array<i64: 1, 16, 256>}]} {
    %get3A = arith.constant 0 : index
    %get3A_0 = arith.constant 0 : index
    %get3A_1 = arith.constant 0 : index
    %get3A_2 = vector.load %arg2[%get3A, %get3A_0, %get3A_1] : memref<1x256x1024xf32, #tpu.memory_space<vmem>>, vector<1x256x1024xf32>
    %get3A_3 = vector.shape_cast %get3A_2 : vector<1x256x1024xf32> to vector<256x1024xf32>
    %get3A_4 = arith.constant 0 : index
    %get3A_5 = arith.constant 0 : index
    %get3A_6 = arith.constant 0 : index
    %get3A_7 = vector.load %arg3[%get3A_4, %get3A_5, %get3A_6] : memref<1x128x1024xf32, #tpu.memory_space<vmem>>, vector<1x128x1024xf32>
    %get3A_8 = vector.shape_cast %get3A_7 : vector<1x128x1024xf32> to vector<128x1024xf32>
    %get3A_9 = arith.constant 0 : index
    %get3A_10 = arith.constant 0 : index
    %get3A_11 = vector.load %arg4[%get3A_9, %get3A_10] : memref<1x128xf32, #tpu.memory_space<vmem>>, vector<1x128xf32>
    %mul3A = arith.mulf %get3A_8, %get3A_8 : vector<128x1024xf32>
    %reduce_sum3A = arith.constant dense<0.000000e+00> : vector<128xf32>
    %reduce_sum3A_12 = vector.multi_reduction <add>, %mul3A, %reduce_sum3A [1] : vector<128x1024xf32> to vector<128xf32>
    %broadcast_in_dim3A = vector.shape_cast %reduce_sum3A_12 : vector<128xf32> to vector<128x1xf32>
    %dot_general3A = arith.constant dense<0.000000e+00> : vector<128x256xf32>
    %dot_general3A_13 = tpu.matmul %get3A_8, %get3A_3, %dot_general3A {dimension_numbers = #tpu.dot_dimension_numbers<[1], [1], [0], [0], [0, 0, 1, 0], [], []>, transpose_lhs_hint = false} : vector<128x1024xf32>, vector<256x1024xf32>, vector<128x256xf32> -> vector<128x256xf32>
    %broadcast_in_dim3A_14 = arith.constant 1.000000e+00 : f32
    %broadcast_in_dim3A_15 = vector.broadcast %broadcast_in_dim3A_14 : f32 to vector<1x1024xf32>
    %mul3A_16 = arith.mulf %get3A_3, %get3A_3 : vector<256x1024xf32>
    %dot_general3A_17 = arith.constant dense<0.000000e+00> : vector<1x256xf32>
    %dot_general3A_18 = tpu.matmul %broadcast_in_dim3A_15, %mul3A_16, %dot_general3A_17 {dimension_numbers = #tpu.dot_dimension_numbers<[1], [1], [0], [0], [0, 0, 1, 0], [], []>, transpose_lhs_hint = false} : vector<1x1024xf32>, vector<256x1024xf32>, vector<1x256xf32> -> vector<1x256xf32>
    %add3A = vector.broadcast %dot_general3A_18 : vector<1x256xf32> to vector<128x256xf32>
    %add3A_19 = vector.broadcast %broadcast_in_dim3A : vector<128x1xf32> to vector<128x256xf32>
    %add3A_20 = arith.addf %add3A, %add3A_19 : vector<128x256xf32>
    %mul3A_21 = arith.constant 2.000000e+00 : f32
    %mul3A_22 = vector.broadcast %mul3A_21 : f32 to vector<128x256xf32>
    %mul3A_23 = arith.mulf %mul3A_22, %dot_general3A_13 : vector<128x256xf32>
    %sub3A = arith.subf %add3A_20, %mul3A_23 : vector<128x256xf32>
    %reduce_min3A = arith.constant dense<0x7F800000> : vector<256xf32>
    %reduce_min3A_24 = vector.multi_reduction <minimumf>, %sub3A, %reduce_min3A [0] : vector<128x256xf32> to vector<256xf32>
    %broadcast_in_dim3A_25 = vector.shape_cast %reduce_min3A_24 : vector<256xf32> to vector<1x256xf32>
    %max3A = arith.constant 0.000000e+00 : f32
    %max3A_26 = vector.broadcast %max3A : f32 to vector<1x256xf32>
    %max3A_27 = arith.maximumf %broadcast_in_dim3A_25, %max3A_26 : vector<1x256xf32>
    %eq3A = vector.broadcast %broadcast_in_dim3A_25 : vector<1x256xf32> to vector<128x256xf32>
    %eq3A_28 = arith.cmpf oeq, %sub3A, %eq3A : vector<128x256xf32>
    %jit3A = arith.constant 0x7F800000 : f32
    %broadcast_in_dim3A_29 = vector.broadcast %jit3A : f32 to vector<128x256xf32>
    %select_n3A = arith.select %eq3A_28, %broadcast_in_dim3A_29, %sub3A : vector<128x256xi1>, vector<128x256xf32>
    %reduce_min3A_30 = arith.constant dense<0x7F800000> : vector<256xf32>
    %reduce_min3A_31 = vector.multi_reduction <minimumf>, %select_n3A, %reduce_min3A_30 [0] : vector<128x256xf32> to vector<256xf32>
    %broadcast_in_dim3A_32 = vector.shape_cast %reduce_min3A_31 : vector<256xf32> to vector<1x256xf32>
    %max3A_33 = arith.constant 0.000000e+00 : f32
    %max3A_34 = vector.broadcast %max3A_33 : f32 to vector<1x256xf32>
    %max3A_35 = arith.maximumf %broadcast_in_dim3A_32, %max3A_34 : vector<1x256xf32>
    %sub3A_36 = vector.broadcast %max3A_35 : vector<1x256xf32> to vector<128x256xf32>
    %sub3A_37 = arith.subf %sub3A, %sub3A_36 : vector<128x256xf32>
    %mul3A_38 = arith.constant 1.638400e+04 : f32
    %mul3A_39 = vector.broadcast %mul3A_38 : f32 to vector<128x256xf32>
    %mul3A_40 = arith.mulf %sub3A_37, %mul3A_39 : vector<128x256xf32>
    %jit3A_41 = arith.constant -1.900000e+06 : f32
    %jit3A_42 = arith.constant 1.460000e+07 : f32
    %max3A_43 = vector.broadcast %jit3A_41 : f32 to vector<128x256xf32>
    %max3A_44 = arith.maximumf %max3A_43, %mul3A_40 : vector<128x256xf32>
    %min3A = vector.broadcast %jit3A_42 : f32 to vector<128x256xf32>
    %min3A_45 = arith.minimumf %min3A, %max3A_44 : vector<128x256xf32>
    %iota3A = tpu.iota {dimensions = array<i32: 0>} : vector<128x256xi32>
    %convert_element_type3A = arith.fptosi %min3A_45 : vector<128x256xf32> to vector<128x256xi32>
    %shift_left3A = arith.constant 7 : i32
    %shift_left3A_46 = vector.broadcast %shift_left3A : i32 to vector<128x256xi32>
    %shift_left3A_47 = arith.shli %convert_element_type3A, %shift_left3A_46 : vector<128x256xi32>
    %or3A = arith.ori %shift_left3A_47, %iota3A : vector<128x256xi32>
    %add3A_48 = arith.constant 268435456 : i32
    %add3A_49 = vector.broadcast %add3A_48 : i32 to vector<128x256xi32>
    %add3A_50 = arith.addi %or3A, %add3A_49 : vector<128x256xi32>
    %bitcast_convert_type3A = tpu.bitcast %add3A_50 : vector<128x256xi32> -> vector<128x256xf32>
    %reduce_min3A_51 = arith.constant dense<0x7F800000> : vector<256xf32>
    %reduce_min3A_52 = vector.multi_reduction <minimumf>, %bitcast_convert_type3A, %reduce_min3A_51 [0] : vector<128x256xf32> to vector<256xf32>
    %broadcast_in_dim3A_53 = vector.shape_cast %reduce_min3A_52 : vector<256xf32> to vector<1x256xf32>
    %eq3A_54 = vector.broadcast %broadcast_in_dim3A_53 : vector<1x256xf32> to vector<128x256xf32>
    %eq3A_55 = arith.cmpf oeq, %bitcast_convert_type3A, %eq3A_54 : vector<128x256xf32>
    %jit3A_56 = arith.constant 1.000000e+00 : f32
    %jit3A_57 = arith.constant 0.000000e+00 : f32
    %broadcast_in_dim3A_58 = vector.broadcast %jit3A_56 : f32 to vector<128x256xf32>
    %broadcast_in_dim3A_59 = vector.broadcast %jit3A_57 : f32 to vector<128x256xf32>
    %select_n3A_60 = arith.select %eq3A_55, %broadcast_in_dim3A_58, %broadcast_in_dim3A_59 : vector<128x256xi1>, vector<128x256xf32>
    %dot_general3A_61 = arith.constant dense<0.000000e+00> : vector<1x256xf32>
    %dot_general3A_62 = tpu.matmul %get3A_11, %select_n3A_60, %dot_general3A_61 {dimension_numbers = #tpu.dot_dimension_numbers<[1], [0], [0], [1], [0, 0, 1, 1], [], []>, transpose_lhs_hint = false} : vector<1x128xf32>, vector<128x256xf32>, vector<1x256xf32> -> vector<1x256xf32>
    %jit3A_63 = arith.constant 0x7F800000 : f32
    %broadcast_in_dim3A_64 = vector.broadcast %jit3A_63 : f32 to vector<128x256xf32>
    %select_n3A_65 = arith.select %eq3A_55, %broadcast_in_dim3A_64, %bitcast_convert_type3A : vector<128x256xi1>, vector<128x256xf32>
    %reduce_min3A_66 = arith.constant dense<0x7F800000> : vector<256xf32>
    %reduce_min3A_67 = vector.multi_reduction <minimumf>, %select_n3A_65, %reduce_min3A_66 [0] : vector<128x256xf32> to vector<256xf32>
    %broadcast_in_dim3A_68 = vector.shape_cast %reduce_min3A_67 : vector<256xf32> to vector<1x256xf32>
    %eq3A_69 = vector.broadcast %broadcast_in_dim3A_68 : vector<1x256xf32> to vector<128x256xf32>
    %eq3A_70 = arith.cmpf oeq, %select_n3A_65, %eq3A_69 : vector<128x256xf32>
    %jit3A_71 = arith.constant 1.000000e+00 : f32
    %jit3A_72 = arith.constant 0.000000e+00 : f32
    %broadcast_in_dim3A_73 = vector.broadcast %jit3A_71 : f32 to vector<128x256xf32>
    %broadcast_in_dim3A_74 = vector.broadcast %jit3A_72 : f32 to vector<128x256xf32>
    %select_n3A_75 = arith.select %eq3A_70, %broadcast_in_dim3A_73, %broadcast_in_dim3A_74 : vector<128x256xi1>, vector<128x256xf32>
    %dot_general3A_76 = arith.constant dense<0.000000e+00> : vector<1x256xf32>
    %dot_general3A_77 = tpu.matmul %get3A_11, %select_n3A_75, %dot_general3A_76 {dimension_numbers = #tpu.dot_dimension_numbers<[1], [0], [0], [1], [0, 0, 1, 1], [], []>, transpose_lhs_hint = false} : vector<1x128xf32>, vector<128x256xf32>, vector<1x256xf32> -> vector<1x256xf32>
    %jit3A_78 = arith.constant 0x7F800000 : f32
    %broadcast_in_dim3A_79 = vector.broadcast %jit3A_78 : f32 to vector<128x256xf32>
    %select_n3A_80 = arith.select %eq3A_70, %broadcast_in_dim3A_79, %select_n3A_65 : vector<128x256xi1>, vector<128x256xf32>
    %reduce_min3A_81 = arith.constant dense<0x7F800000> : vector<256xf32>
    %reduce_min3A_82 = vector.multi_reduction <minimumf>, %select_n3A_80, %reduce_min3A_81 [0] : vector<128x256xf32> to vector<256xf32>
    %broadcast_in_dim3A_83 = vector.shape_cast %reduce_min3A_82 : vector<256xf32> to vector<1x256xf32>
    %eq3A_84 = vector.broadcast %broadcast_in_dim3A_83 : vector<1x256xf32> to vector<128x256xf32>
    %eq3A_85 = arith.cmpf oeq, %select_n3A_80, %eq3A_84 : vector<128x256xf32>
    %jit3A_86 = arith.constant 1.000000e+00 : f32
    %jit3A_87 = arith.constant 0.000000e+00 : f32
    %broadcast_in_dim3A_88 = vector.broadcast %jit3A_86 : f32 to vector<128x256xf32>
    %broadcast_in_dim3A_89 = vector.broadcast %jit3A_87 : f32 to vector<128x256xf32>
    %select_n3A_90 = arith.select %eq3A_85, %broadcast_in_dim3A_88, %broadcast_in_dim3A_89 : vector<128x256xi1>, vector<128x256xf32>
    %dot_general3A_91 = arith.constant dense<0.000000e+00> : vector<1x256xf32>
    %dot_general3A_92 = tpu.matmul %get3A_11, %select_n3A_90, %dot_general3A_91 {dimension_numbers = #tpu.dot_dimension_numbers<[1], [0], [0], [1], [0, 0, 1, 1], [], []>, transpose_lhs_hint = false} : vector<1x128xf32>, vector<128x256xf32>, vector<1x256xf32> -> vector<1x256xf32>
    %jit3A_93 = arith.constant 0x7F800000 : f32
    %broadcast_in_dim3A_94 = vector.broadcast %jit3A_93 : f32 to vector<128x256xf32>
    %select_n3A_95 = arith.select %eq3A_85, %broadcast_in_dim3A_94, %select_n3A_80 : vector<128x256xi1>, vector<128x256xf32>
    %reduce_min3A_96 = arith.constant dense<0x7F800000> : vector<256xf32>
    %reduce_min3A_97 = vector.multi_reduction <minimumf>, %select_n3A_95, %reduce_min3A_96 [0] : vector<128x256xf32> to vector<256xf32>
    %broadcast_in_dim3A_98 = vector.shape_cast %reduce_min3A_97 : vector<256xf32> to vector<1x256xf32>
    %eq3A_99 = vector.broadcast %broadcast_in_dim3A_98 : vector<1x256xf32> to vector<128x256xf32>
    %eq3A_100 = arith.cmpf oeq, %select_n3A_95, %eq3A_99 : vector<128x256xf32>
    %jit3A_101 = arith.constant 1.000000e+00 : f32
    %jit3A_102 = arith.constant 0.000000e+00 : f32
    %broadcast_in_dim3A_103 = vector.broadcast %jit3A_101 : f32 to vector<128x256xf32>
    %broadcast_in_dim3A_104 = vector.broadcast %jit3A_102 : f32 to vector<128x256xf32>
    %select_n3A_105 = arith.select %eq3A_100, %broadcast_in_dim3A_103, %broadcast_in_dim3A_104 : vector<128x256xi1>, vector<128x256xf32>
    %dot_general3A_106 = arith.constant dense<0.000000e+00> : vector<1x256xf32>
    %dot_general3A_107 = tpu.matmul %get3A_11, %select_n3A_105, %dot_general3A_106 {dimension_numbers = #tpu.dot_dimension_numbers<[1], [0], [0], [1], [0, 0, 1, 1], [], []>, transpose_lhs_hint = false} : vector<1x128xf32>, vector<128x256xf32>, vector<1x256xf32> -> vector<1x256xf32>
    %jit3A_108 = arith.constant 0x7F800000 : f32
    %broadcast_in_dim3A_109 = vector.broadcast %jit3A_108 : f32 to vector<128x256xf32>
    %select_n3A_110 = arith.select %eq3A_100, %broadcast_in_dim3A_109, %select_n3A_95 : vector<128x256xi1>, vector<128x256xf32>
    %reduce_min3A_111 = arith.constant dense<0x7F800000> : vector<256xf32>
    %reduce_min3A_112 = vector.multi_reduction <minimumf>, %select_n3A_110, %reduce_min3A_111 [0] : vector<128x256xf32> to vector<256xf32>
    %broadcast_in_dim3A_113 = vector.shape_cast %reduce_min3A_112 : vector<256xf32> to vector<1x256xf32>
    %eq3A_114 = vector.broadcast %broadcast_in_dim3A_113 : vector<1x256xf32> to vector<128x256xf32>
    %eq3A_115 = arith.cmpf oeq, %select_n3A_110, %eq3A_114 : vector<128x256xf32>
    %jit3A_116 = arith.constant 1.000000e+00 : f32
    %jit3A_117 = arith.constant 0.000000e+00 : f32
    %broadcast_in_dim3A_118 = vector.broadcast %jit3A_116 : f32 to vector<128x256xf32>
    %broadcast_in_dim3A_119 = vector.broadcast %jit3A_117 : f32 to vector<128x256xf32>
    %select_n3A_120 = arith.select %eq3A_115, %broadcast_in_dim3A_118, %broadcast_in_dim3A_119 : vector<128x256xi1>, vector<128x256xf32>
    %dot_general3A_121 = arith.constant dense<0.000000e+00> : vector<1x256xf32>
    %dot_general3A_122 = tpu.matmul %get3A_11, %select_n3A_120, %dot_general3A_121 {dimension_numbers = #tpu.dot_dimension_numbers<[1], [0], [0], [1], [0, 0, 1, 1], [], []>, transpose_lhs_hint = false} : vector<1x128xf32>, vector<128x256xf32>, vector<1x256xf32> -> vector<1x256xf32>
    %jit3A_123 = arith.constant 0x7F800000 : f32
    %broadcast_in_dim3A_124 = vector.broadcast %jit3A_123 : f32 to vector<128x256xf32>
    %select_n3A_125 = arith.select %eq3A_115, %broadcast_in_dim3A_124, %select_n3A_110 : vector<128x256xi1>, vector<128x256xf32>
    %reduce_min3A_126 = arith.constant dense<0x7F800000> : vector<256xf32>
    %reduce_min3A_127 = vector.multi_reduction <minimumf>, %select_n3A_125, %reduce_min3A_126 [0] : vector<128x256xf32> to vector<256xf32>
    %broadcast_in_dim3A_128 = vector.shape_cast %reduce_min3A_127 : vector<256xf32> to vector<1x256xf32>
    %eq3A_129 = vector.broadcast %broadcast_in_dim3A_128 : vector<1x256xf32> to vector<128x256xf32>
    %eq3A_130 = arith.cmpf oeq, %select_n3A_125, %eq3A_129 : vector<128x256xf32>
    %jit3A_131 = arith.constant 1.000000e+00 : f32
    %jit3A_132 = arith.constant 0.000000e+00 : f32
    %broadcast_in_dim3A_133 = vector.broadcast %jit3A_131 : f32 to vector<128x256xf32>
    %broadcast_in_dim3A_134 = vector.broadcast %jit3A_132 : f32 to vector<128x256xf32>
    %select_n3A_135 = arith.select %eq3A_130, %broadcast_in_dim3A_133, %broadcast_in_dim3A_134 : vector<128x256xi1>, vector<128x256xf32>
    %dot_general3A_136 = arith.constant dense<0.000000e+00> : vector<1x256xf32>
    %dot_general3A_137 = tpu.matmul %get3A_11, %select_n3A_135, %dot_general3A_136 {dimension_numbers = #tpu.dot_dimension_numbers<[1], [0], [0], [1], [0, 0, 1, 1], [], []>, transpose_lhs_hint = false} : vector<1x128xf32>, vector<128x256xf32>, vector<1x256xf32> -> vector<1x256xf32>
    %jit3A_138 = arith.constant 0x7F800000 : f32
    %broadcast_in_dim3A_139 = vector.broadcast %jit3A_138 : f32 to vector<128x256xf32>
    %select_n3A_140 = arith.select %eq3A_130, %broadcast_in_dim3A_139, %select_n3A_125 : vector<128x256xi1>, vector<128x256xf32>
    %reduce_min3A_141 = arith.constant dense<0x7F800000> : vector<256xf32>
    %reduce_min3A_142 = vector.multi_reduction <minimumf>, %select_n3A_140, %reduce_min3A_141 [0] : vector<128x256xf32> to vector<256xf32>
    %broadcast_in_dim3A_143 = vector.shape_cast %reduce_min3A_142 : vector<256xf32> to vector<1x256xf32>
    %eq3A_144 = vector.broadcast %broadcast_in_dim3A_143 : vector<1x256xf32> to vector<128x256xf32>
    %eq3A_145 = arith.cmpf oeq, %select_n3A_140, %eq3A_144 : vector<128x256xf32>
    %jit3A_146 = arith.constant 1.000000e+00 : f32
    %jit3A_147 = arith.constant 0.000000e+00 : f32
    %broadcast_in_dim3A_148 = vector.broadcast %jit3A_146 : f32 to vector<128x256xf32>
    %broadcast_in_dim3A_149 = vector.broadcast %jit3A_147 : f32 to vector<128x256xf32>
    %select_n3A_150 = arith.select %eq3A_145, %broadcast_in_dim3A_148, %broadcast_in_dim3A_149 : vector<128x256xi1>, vector<128x256xf32>
    %dot_general3A_151 = arith.constant dense<0.000000e+00> : vector<1x256xf32>
    %dot_general3A_152 = tpu.matmul %get3A_11, %select_n3A_150, %dot_general3A_151 {dimension_numbers = #tpu.dot_dimension_numbers<[1], [0], [0], [1], [0, 0, 1, 1], [], []>, transpose_lhs_hint = false} : vector<1x128xf32>, vector<128x256xf32>, vector<1x256xf32> -> vector<1x256xf32>
    %jit3A_153 = arith.constant 0x7F800000 : f32
    %broadcast_in_dim3A_154 = vector.broadcast %jit3A_153 : f32 to vector<128x256xf32>
    %select_n3A_155 = arith.select %eq3A_145, %broadcast_in_dim3A_154, %select_n3A_140 : vector<128x256xi1>, vector<128x256xf32>
    %reduce_min3A_156 = arith.constant dense<0x7F800000> : vector<256xf32>
    %reduce_min3A_157 = vector.multi_reduction <minimumf>, %select_n3A_155, %reduce_min3A_156 [0] : vector<128x256xf32> to vector<256xf32>
    %broadcast_in_dim3A_158 = vector.shape_cast %reduce_min3A_157 : vector<256xf32> to vector<1x256xf32>
    %eq3A_159 = vector.broadcast %broadcast_in_dim3A_158 : vector<1x256xf32> to vector<128x256xf32>
    %eq3A_160 = arith.cmpf oeq, %select_n3A_155, %eq3A_159 : vector<128x256xf32>
    %jit3A_161 = arith.constant 1.000000e+00 : f32
    %jit3A_162 = arith.constant 0.000000e+00 : f32
    %broadcast_in_dim3A_163 = vector.broadcast %jit3A_161 : f32 to vector<128x256xf32>
    %broadcast_in_dim3A_164 = vector.broadcast %jit3A_162 : f32 to vector<128x256xf32>
    %select_n3A_165 = arith.select %eq3A_160, %broadcast_in_dim3A_163, %broadcast_in_dim3A_164 : vector<128x256xi1>, vector<128x256xf32>
    %dot_general3A_166 = arith.constant dense<0.000000e+00> : vector<1x256xf32>
    %dot_general3A_167 = tpu.matmul %get3A_11, %select_n3A_165, %dot_general3A_166 {dimension_numbers = #tpu.dot_dimension_numbers<[1], [0], [0], [1], [0, 0, 1, 1], [], []>, transpose_lhs_hint = false} : vector<1x128xf32>, vector<128x256xf32>, vector<1x256xf32> -> vector<1x256xf32>
    %jit3A_168 = arith.constant 0x7F800000 : f32
    %broadcast_in_dim3A_169 = vector.broadcast %jit3A_168 : f32 to vector<128x256xf32>
    %select_n3A_170 = arith.select %eq3A_160, %broadcast_in_dim3A_169, %select_n3A_155 : vector<128x256xi1>, vector<128x256xf32>
    %reduce_min3A_171 = arith.constant dense<0x7F800000> : vector<256xf32>
    %reduce_min3A_172 = vector.multi_reduction <minimumf>, %select_n3A_170, %reduce_min3A_171 [0] : vector<128x256xf32> to vector<256xf32>
    %broadcast_in_dim3A_173 = vector.shape_cast %reduce_min3A_172 : vector<256xf32> to vector<1x256xf32>
    %eq3A_174 = vector.broadcast %broadcast_in_dim3A_173 : vector<1x256xf32> to vector<128x256xf32>
    %eq3A_175 = arith.cmpf oeq, %select_n3A_170, %eq3A_174 : vector<128x256xf32>
    %jit3A_176 = arith.constant 1.000000e+00 : f32
    %jit3A_177 = arith.constant 0.000000e+00 : f32
    %broadcast_in_dim3A_178 = vector.broadcast %jit3A_176 : f32 to vector<128x256xf32>
    %broadcast_in_dim3A_179 = vector.broadcast %jit3A_177 : f32 to vector<128x256xf32>
    %select_n3A_180 = arith.select %eq3A_175, %broadcast_in_dim3A_178, %broadcast_in_dim3A_179 : vector<128x256xi1>, vector<128x256xf32>
    %dot_general3A_181 = arith.constant dense<0.000000e+00> : vector<1x256xf32>
    %dot_general3A_182 = tpu.matmul %get3A_11, %select_n3A_180, %dot_general3A_181 {dimension_numbers = #tpu.dot_dimension_numbers<[1], [0], [0], [1], [0, 0, 1, 1], [], []>, transpose_lhs_hint = false} : vector<1x128xf32>, vector<128x256xf32>, vector<1x256xf32> -> vector<1x256xf32>
    %jit3A_183 = arith.constant 0x7F800000 : f32
    %broadcast_in_dim3A_184 = vector.broadcast %jit3A_183 : f32 to vector<128x256xf32>
    %select_n3A_185 = arith.select %eq3A_175, %broadcast_in_dim3A_184, %select_n3A_170 : vector<128x256xi1>, vector<128x256xf32>
    %reduce_min3A_186 = arith.constant dense<0x7F800000> : vector<256xf32>
    %reduce_min3A_187 = vector.multi_reduction <minimumf>, %select_n3A_185, %reduce_min3A_186 [0] : vector<128x256xf32> to vector<256xf32>
    %broadcast_in_dim3A_188 = vector.shape_cast %reduce_min3A_187 : vector<256xf32> to vector<1x256xf32>
    %eq3A_189 = vector.broadcast %broadcast_in_dim3A_188 : vector<1x256xf32> to vector<128x256xf32>
    %eq3A_190 = arith.cmpf oeq, %select_n3A_185, %eq3A_189 : vector<128x256xf32>
    %jit3A_191 = arith.constant 1.000000e+00 : f32
    %jit3A_192 = arith.constant 0.000000e+00 : f32
    %broadcast_in_dim3A_193 = vector.broadcast %jit3A_191 : f32 to vector<128x256xf32>
    %broadcast_in_dim3A_194 = vector.broadcast %jit3A_192 : f32 to vector<128x256xf32>
    %select_n3A_195 = arith.select %eq3A_190, %broadcast_in_dim3A_193, %broadcast_in_dim3A_194 : vector<128x256xi1>, vector<128x256xf32>
    %dot_general3A_196 = arith.constant dense<0.000000e+00> : vector<1x256xf32>
    %dot_general3A_197 = tpu.matmul %get3A_11, %select_n3A_195, %dot_general3A_196 {dimension_numbers = #tpu.dot_dimension_numbers<[1], [0], [0], [1], [0, 0, 1, 1], [], []>, transpose_lhs_hint = false} : vector<1x128xf32>, vector<128x256xf32>, vector<1x256xf32> -> vector<1x256xf32>
    %jit3A_198 = arith.constant 0x7F800000 : f32
    %broadcast_in_dim3A_199 = vector.broadcast %jit3A_198 : f32 to vector<128x256xf32>
    %select_n3A_200 = arith.select %eq3A_190, %broadcast_in_dim3A_199, %select_n3A_185 : vector<128x256xi1>, vector<128x256xf32>
    %reduce_min3A_201 = arith.constant dense<0x7F800000> : vector<256xf32>
    %reduce_min3A_202 = vector.multi_reduction <minimumf>, %select_n3A_200, %reduce_min3A_201 [0] : vector<128x256xf32> to vector<256xf32>
    %broadcast_in_dim3A_203 = vector.shape_cast %reduce_min3A_202 : vector<256xf32> to vector<1x256xf32>
    %eq3A_204 = vector.broadcast %broadcast_in_dim3A_203 : vector<1x256xf32> to vector<128x256xf32>
    %eq3A_205 = arith.cmpf oeq, %select_n3A_200, %eq3A_204 : vector<128x256xf32>
    %jit3A_206 = arith.constant 1.000000e+00 : f32
    %jit3A_207 = arith.constant 0.000000e+00 : f32
    %broadcast_in_dim3A_208 = vector.broadcast %jit3A_206 : f32 to vector<128x256xf32>
    %broadcast_in_dim3A_209 = vector.broadcast %jit3A_207 : f32 to vector<128x256xf32>
    %select_n3A_210 = arith.select %eq3A_205, %broadcast_in_dim3A_208, %broadcast_in_dim3A_209 : vector<128x256xi1>, vector<128x256xf32>
    %dot_general3A_211 = arith.constant dense<0.000000e+00> : vector<1x256xf32>
    %dot_general3A_212 = tpu.matmul %get3A_11, %select_n3A_210, %dot_general3A_211 {dimension_numbers = #tpu.dot_dimension_numbers<[1], [0], [0], [1], [0, 0, 1, 1], [], []>, transpose_lhs_hint = false} : vector<1x128xf32>, vector<128x256xf32>, vector<1x256xf32> -> vector<1x256xf32>
    %jit3A_213 = arith.constant 0x7F800000 : f32
    %broadcast_in_dim3A_214 = vector.broadcast %jit3A_213 : f32 to vector<128x256xf32>
    %select_n3A_215 = arith.select %eq3A_205, %broadcast_in_dim3A_214, %select_n3A_200 : vector<128x256xi1>, vector<128x256xf32>
    %reduce_min3A_216 = arith.constant dense<0x7F800000> : vector<256xf32>
    %reduce_min3A_217 = vector.multi_reduction <minimumf>, %select_n3A_215, %reduce_min3A_216 [0] : vector<128x256xf32> to vector<256xf32>
    %broadcast_in_dim3A_218 = vector.shape_cast %reduce_min3A_217 : vector<256xf32> to vector<1x256xf32>
    %eq3A_219 = vector.broadcast %broadcast_in_dim3A_218 : vector<1x256xf32> to vector<128x256xf32>
    %eq3A_220 = arith.cmpf oeq, %select_n3A_215, %eq3A_219 : vector<128x256xf32>
    %jit3A_221 = arith.constant 1.000000e+00 : f32
    %jit3A_222 = arith.constant 0.000000e+00 : f32
    %broadcast_in_dim3A_223 = vector.broadcast %jit3A_221 : f32 to vector<128x256xf32>
    %broadcast_in_dim3A_224 = vector.broadcast %jit3A_222 : f32 to vector<128x256xf32>
    %select_n3A_225 = arith.select %eq3A_220, %broadcast_in_dim3A_223, %broadcast_in_dim3A_224 : vector<128x256xi1>, vector<128x256xf32>
    %dot_general3A_226 = arith.constant dense<0.000000e+00> : vector<1x256xf32>
    %dot_general3A_227 = tpu.matmul %get3A_11, %select_n3A_225, %dot_general3A_226 {dimension_numbers = #tpu.dot_dimension_numbers<[1], [0], [0], [1], [0, 0, 1, 1], [], []>, transpose_lhs_hint = false} : vector<1x128xf32>, vector<128x256xf32>, vector<1x256xf32> -> vector<1x256xf32>
    %jit3A_228 = arith.constant 0x7F800000 : f32
    %broadcast_in_dim3A_229 = vector.broadcast %jit3A_228 : f32 to vector<128x256xf32>
    %select_n3A_230 = arith.select %eq3A_220, %broadcast_in_dim3A_229, %select_n3A_215 : vector<128x256xi1>, vector<128x256xf32>
    %reduce_min3A_231 = arith.constant dense<0x7F800000> : vector<256xf32>
    %reduce_min3A_232 = vector.multi_reduction <minimumf>, %select_n3A_230, %reduce_min3A_231 [0] : vector<128x256xf32> to vector<256xf32>
    %broadcast_in_dim3A_233 = vector.shape_cast %reduce_min3A_232 : vector<256xf32> to vector<1x256xf32>
    %eq3A_234 = vector.broadcast %broadcast_in_dim3A_233 : vector<1x256xf32> to vector<128x256xf32>
    %eq3A_235 = arith.cmpf oeq, %select_n3A_230, %eq3A_234 : vector<128x256xf32>
    %jit3A_236 = arith.constant 1.000000e+00 : f32
    %jit3A_237 = arith.constant 0.000000e+00 : f32
    %broadcast_in_dim3A_238 = vector.broadcast %jit3A_236 : f32 to vector<128x256xf32>
    %broadcast_in_dim3A_239 = vector.broadcast %jit3A_237 : f32 to vector<128x256xf32>
    %select_n3A_240 = arith.select %eq3A_235, %broadcast_in_dim3A_238, %broadcast_in_dim3A_239 : vector<128x256xi1>, vector<128x256xf32>
    %dot_general3A_241 = arith.constant dense<0.000000e+00> : vector<1x256xf32>
    %dot_general3A_242 = tpu.matmul %get3A_11, %select_n3A_240, %dot_general3A_241 {dimension_numbers = #tpu.dot_dimension_numbers<[1], [0], [0], [1], [0, 0, 1, 1], [], []>, transpose_lhs_hint = false} : vector<1x128xf32>, vector<128x256xf32>, vector<1x256xf32> -> vector<1x256xf32>
    %jit3A_243 = arith.constant 0x7F800000 : f32
    %broadcast_in_dim3A_244 = vector.broadcast %jit3A_243 : f32 to vector<128x256xf32>
    %select_n3A_245 = arith.select %eq3A_235, %broadcast_in_dim3A_244, %select_n3A_230 : vector<128x256xi1>, vector<128x256xf32>
    %reduce_min3A_246 = arith.constant dense<0x7F800000> : vector<256xf32>
    %reduce_min3A_247 = vector.multi_reduction <minimumf>, %select_n3A_245, %reduce_min3A_246 [0] : vector<128x256xf32> to vector<256xf32>
    %broadcast_in_dim3A_248 = vector.shape_cast %reduce_min3A_247 : vector<256xf32> to vector<1x256xf32>
    %eq3A_249 = vector.broadcast %broadcast_in_dim3A_248 : vector<1x256xf32> to vector<128x256xf32>
    %eq3A_250 = arith.cmpf oeq, %select_n3A_245, %eq3A_249 : vector<128x256xf32>
    %jit3A_251 = arith.constant 1.000000e+00 : f32
    %jit3A_252 = arith.constant 0.000000e+00 : f32
    %broadcast_in_dim3A_253 = vector.broadcast %jit3A_251 : f32 to vector<128x256xf32>
    %broadcast_in_dim3A_254 = vector.broadcast %jit3A_252 : f32 to vector<128x256xf32>
    %select_n3A_255 = arith.select %eq3A_250, %broadcast_in_dim3A_253, %broadcast_in_dim3A_254 : vector<128x256xi1>, vector<128x256xf32>
    %dot_general3A_256 = arith.constant dense<0.000000e+00> : vector<1x256xf32>
    %dot_general3A_257 = tpu.matmul %get3A_11, %select_n3A_255, %dot_general3A_256 {dimension_numbers = #tpu.dot_dimension_numbers<[1], [0], [0], [1], [0, 0, 1, 1], [], []>, transpose_lhs_hint = false} : vector<1x128xf32>, vector<128x256xf32>, vector<1x256xf32> -> vector<1x256xf32>
    %jit3A_258 = arith.constant 0x7F800000 : f32
    %broadcast_in_dim3A_259 = vector.broadcast %jit3A_258 : f32 to vector<128x256xf32>
    %select_n3A_260 = arith.select %eq3A_250, %broadcast_in_dim3A_259, %select_n3A_245 : vector<128x256xi1>, vector<128x256xf32>
    %reduce_min3A_261 = arith.constant dense<0x7F800000> : vector<256xf32>
    %reduce_min3A_262 = vector.multi_reduction <minimumf>, %select_n3A_260, %reduce_min3A_261 [0] : vector<128x256xf32> to vector<256xf32>
    %broadcast_in_dim3A_263 = vector.shape_cast %reduce_min3A_262 : vector<256xf32> to vector<1x256xf32>
    %eq3A_264 = vector.broadcast %broadcast_in_dim3A_263 : vector<1x256xf32> to vector<128x256xf32>
    %eq3A_265 = arith.cmpf oeq, %select_n3A_260, %eq3A_264 : vector<128x256xf32>
    %jit3A_266 = arith.constant 1.000000e+00 : f32
    %jit3A_267 = arith.constant 0.000000e+00 : f32
    %broadcast_in_dim3A_268 = vector.broadcast %jit3A_266 : f32 to vector<128x256xf32>
    %broadcast_in_dim3A_269 = vector.broadcast %jit3A_267 : f32 to vector<128x256xf32>
    %select_n3A_270 = arith.select %eq3A_265, %broadcast_in_dim3A_268, %broadcast_in_dim3A_269 : vector<128x256xi1>, vector<128x256xf32>
    %dot_general3A_271 = arith.constant dense<0.000000e+00> : vector<1x256xf32>
    %dot_general3A_272 = tpu.matmul %get3A_11, %select_n3A_270, %dot_general3A_271 {dimension_numbers = #tpu.dot_dimension_numbers<[1], [0], [0], [1], [0, 0, 1, 1], [], []>, transpose_lhs_hint = false} : vector<1x128xf32>, vector<128x256xf32>, vector<1x256xf32> -> vector<1x256xf32>
    %jit3A_273 = arith.constant 0x7F800000 : f32
    %broadcast_in_dim3A_274 = vector.broadcast %jit3A_273 : f32 to vector<128x256xf32>
    %select_n3A_275 = arith.select %eq3A_265, %broadcast_in_dim3A_274, %select_n3A_260 : vector<128x256xi1>, vector<128x256xf32>
    %reduce_min3A_276 = arith.constant dense<0x7F800000> : vector<256xf32>
    %reduce_min3A_277 = vector.multi_reduction <minimumf>, %select_n3A_275, %reduce_min3A_276 [0] : vector<128x256xf32> to vector<256xf32>
    %broadcast_in_dim3A_278 = vector.shape_cast %reduce_min3A_277 : vector<256xf32> to vector<1x256xf32>
    %eq3A_279 = vector.broadcast %broadcast_in_dim3A_278 : vector<1x256xf32> to vector<128x256xf32>
    %eq3A_280 = arith.cmpf oeq, %select_n3A_275, %eq3A_279 : vector<128x256xf32>
    %jit3A_281 = arith.constant 1.000000e+00 : f32
    %jit3A_282 = arith.constant 0.000000e+00 : f32
    %broadcast_in_dim3A_283 = vector.broadcast %jit3A_281 : f32 to vector<128x256xf32>
    %broadcast_in_dim3A_284 = vector.broadcast %jit3A_282 : f32 to vector<128x256xf32>
    %select_n3A_285 = arith.select %eq3A_280, %broadcast_in_dim3A_283, %broadcast_in_dim3A_284 : vector<128x256xi1>, vector<128x256xf32>
    %dot_general3A_286 = arith.constant dense<0.000000e+00> : vector<1x256xf32>
    %dot_general3A_287 = tpu.matmul %get3A_11, %select_n3A_285, %dot_general3A_286 {dimension_numbers = #tpu.dot_dimension_numbers<[1], [0], [0], [1], [0, 0, 1, 1], [], []>, transpose_lhs_hint = false} : vector<1x128xf32>, vector<128x256xf32>, vector<1x256xf32> -> vector<1x256xf32>
    %concatenate3A = tpu.concatenate %broadcast_in_dim3A_53, %broadcast_in_dim3A_68, %broadcast_in_dim3A_83, %broadcast_in_dim3A_98, %broadcast_in_dim3A_113, %broadcast_in_dim3A_128, %broadcast_in_dim3A_143, %broadcast_in_dim3A_158, %broadcast_in_dim3A_173, %broadcast_in_dim3A_188, %broadcast_in_dim3A_203, %broadcast_in_dim3A_218, %broadcast_in_dim3A_233, %broadcast_in_dim3A_248, %broadcast_in_dim3A_263, %broadcast_in_dim3A_278 in 0 : vector<1x256xf32>, vector<1x256xf32>, vector<1x256xf32>, vector<1x256xf32>, vector<1x256xf32>, vector<1x256xf32>, vector<1x256xf32>, vector<1x256xf32>, vector<1x256xf32>, vector<1x256xf32>, vector<1x256xf32>, vector<1x256xf32>, vector<1x256xf32>, vector<1x256xf32>, vector<1x256xf32>, vector<1x256xf32> -> vector<16x256xf32>
    %bitcast_convert_type3A_288 = tpu.bitcast %concatenate3A : vector<16x256xf32> -> vector<16x256xi32>
    %sub3A_289 = arith.constant 268435456 : i32
    %sub3A_290 = vector.broadcast %sub3A_289 : i32 to vector<16x256xi32>
    %sub3A_291 = arith.subi %bitcast_convert_type3A_288, %sub3A_290 : vector<16x256xi32>
    %shift_right_arithmetic3A = arith.constant 7 : i32
    %shift_right_arithmetic3A_292 = vector.broadcast %shift_right_arithmetic3A : i32 to vector<16x256xi32>
    %shift_right_arithmetic3A_293 = arith.shrsi %sub3A_291, %shift_right_arithmetic3A_292 : vector<16x256xi32>
    %convert_element_type3A_294 = arith.sitofp %shift_right_arithmetic3A_293 : vector<16x256xi32> to vector<16x256xf32>
    %mul3A_295 = arith.constant 6.10351563E-5 : f32
    %mul3A_296 = vector.broadcast %mul3A_295 : f32 to vector<16x256xf32>
    %mul3A_297 = arith.mulf %convert_element_type3A_294, %mul3A_296 : vector<16x256xf32>
    %add3A_298 = vector.broadcast %max3A_35 : vector<1x256xf32> to vector<16x256xf32>
    %add3A_299 = arith.addf %mul3A_297, %add3A_298 : vector<16x256xf32>
    %slice3A = vector.extract_strided_slice %add3A_299 {offsets = [1, 0], sizes = [15, 256], strides = [1, 1]} : vector<16x256xf32> to vector<15x256xf32>
    %concatenate3A_300 = tpu.concatenate %max3A_27, %slice3A in 0 : vector<1x256xf32>, vector<15x256xf32> -> vector<16x256xf32>
    %concatenate3A_301 = tpu.concatenate %dot_general3A_62, %dot_general3A_77, %dot_general3A_92, %dot_general3A_107, %dot_general3A_122, %dot_general3A_137, %dot_general3A_152, %dot_general3A_167, %dot_general3A_182, %dot_general3A_197, %dot_general3A_212, %dot_general3A_227, %dot_general3A_242, %dot_general3A_257, %dot_general3A_272, %dot_general3A_287 in 0 : vector<1x256xf32>, vector<1x256xf32>, vector<1x256xf32>, vector<1x256xf32>, vector<1x256xf32>, vector<1x256xf32>, vector<1x256xf32>, vector<1x256xf32>, vector<1x256xf32>, vector<1x256xf32>, vector<1x256xf32>, vector<1x256xf32>, vector<1x256xf32>, vector<1x256xf32>, vector<1x256xf32>, vector<1x256xf32> -> vector<16x256xf32>
    %convert_element_type3A_302 = arith.fptosi %concatenate3A_301 : vector<16x256xf32> to vector<16x256xi32>
    %swap3A = arith.constant 0 : index
    %swap3A_303 = arith.constant 0 : index
    %swap3A_304 = arith.constant 0 : index
    %swap3A_305 = vector.load %arg5[%swap3A, %swap3A_303, %swap3A_304] : memref<1x16x256xi32, #tpu.memory_space<vmem>>, vector<1x16x256xi32>
    %swap3A_306 = vector.shape_cast %swap3A_305 : vector<1x16x256xi32> to vector<16x256xi32>
    %swap3A_307 = vector.shape_cast %convert_element_type3A_302 : vector<16x256xi32> to vector<1x16x256xi32>
    tpu.vector_store %arg5[%swap3A, %swap3A_303, %swap3A_304], %swap3A_307 {strides = array<i32>} : memref<1x16x256xi32, #tpu.memory_space<vmem>>, vector<1x16x256xi32>,
    %sqrt3A = math.sqrt %concatenate3A_300 : vector<16x256xf32>
    %swap3A_308 = arith.constant 0 : index
    %swap3A_309 = arith.constant 0 : index
    %swap3A_310 = arith.constant 0 : index
    %swap3A_311 = vector.load %arg6[%swap3A_308, %swap3A_309, %swap3A_310] : memref<1x16x256xf32, #tpu.memory_space<vmem>>, vector<1x16x256xf32>
    %swap3A_312 = vector.shape_cast %swap3A_311 : vector<1x16x256xf32> to vector<16x256xf32>
    %swap3A_313 = vector.shape_cast %sqrt3A : vector<16x256xf32> to vector<1x16x256xf32>
    tpu.vector_store %arg6[%swap3A_308, %swap3A_309, %swap3A_310], %swap3A_313 {strides = array<i32>} : memref<1x16x256xf32, #tpu.memory_space<vmem>>, vector<1x16x256xf32>,
    return
  }
  func.func @transform_0(%arg0: i32, %arg1: i32) -> (i32, i32, i32) {
    %c0_i32 = arith.constant 0 : i32
    %c0_i32_0 = arith.constant 0 : i32
    return %arg0, %arg1, %c0_i32 : i32, i32, i32
  }
  func.func @transform_1(%arg0: i32, %arg1: i32) -> (i32, i32, i32) {
    %c0_i32 = arith.constant 0 : i32
    %c0_i32_0 = arith.constant 0 : i32
    %c0_i32_1 = arith.constant 0 : i32
    return %arg0, %c0_i32, %c0_i32_0 : i32, i32, i32
  }
  func.func @transform_2(%arg0: i32, %arg1: i32) -> (i32, i32) {
    %c0_i32 = arith.constant 0 : i32
    %c0_i32_0 = arith.constant 0 : i32
    %c0_i32_1 = arith.constant 0 : i32
    return %c0_i32, %c0_i32_0 : i32, i32
  }
  func.func @transform_3(%arg0: i32, %arg1: i32) -> (i32, i32, i32) {
    %c0_i32 = arith.constant 0 : i32
    %c0_i32_0 = arith.constant 0 : i32
    return %arg0, %c0_i32, %arg1 : i32, i32, i32
  }
  func.func @transform_4(%arg0: i32, %arg1: i32) -> (i32, i32, i32) {
    %c0_i32 = arith.constant 0 : i32
    %c0_i32_0 = arith.constant 0 : i32
    return %arg0, %c0_i32, %arg1 : i32, i32, i32
  }
}

</mosaic_0001>

<sc_bundles>
// kernel: kernel.4.cloned.1.call-start
scs
__scs_entry_jumppad:
0x0: {  	(pc) =	sbr.rel $0x88, $3  }
0x1: {  	(tag) =	ssettag $0x0;
	lr =	simm.s32 $0x1  }
0x2: {  	[smem:$0x3F9F] =	sst lr;
	_ =	strace $0xD0000000  }
0x3: {  	_ = 	snop  }
0x4: {  	_ = 	snop  }
0x5: {  	_ = 	snop  }
0x6: {  	_ = 	snop  }
0x7: {  	_ = 	snop  }
__scs_overlays_trampoline_lowered:
0x8: {  	[smem:$0x3FAE] =	sst s0  }
0x9: {  	[smem:$0x3FAF] =	sst s1  }
0xa: {  	[smem:$0x3FB0] =	sst s2  }
0xb: {  	[smem:$0x3FB1] =	sst s3  }
0xc: {  	[smem:$0x3FB2] =	sst s4  }
0xd: {  	[smem:$0x3FB3] =	sst s5  }
0xe: {  	[smem:$0x3FB4] =	sst s6  }
0xf: {  	[smem:$0x3FB5] =	sst s7  }
0x10: {  	[smem:$0x3FB6] =	sst s8  }
0x11: {  	[smem:$0x3FB7] =	sst s9;
	s0 =	simm.s32 @!p0 $0x0  }
0x12: {  	s1 =	sld [smem:$0x3F9D];
	s0 =	simm.s32 @p0 $0x1  }
0x13: {  	[smem:$0x3FB8] =	sst s0;
	s0 =	simm.s32 @!p1 $0x0  }
0x14: {  	s2 =	sld [smem:$0x3F9C];
	s0 =	simm.s32 @p1 $0x1  }
0x15: {  	[smem:$0x3FB9] =	sst s0;
	s0 =	simm.s32 @!p2 $0x0  }
0x16: {  	s3 =	sld [smem:$0x3FDB];
	s0 =	simm.s32 @p2 $0x1  }
0x17: {  	s4 =	simm.s32 $0x1BF5;
	[smem:$0x3FBB] =	sst s0  }
0x18: {  	s0 =	sld [smem:$0x3F9E];
	_ =	swait.ge [sflag:s4], $0x0  }
0x19: {  	s7 =	sld [smem:$0x3F9F]  }
0x1a: {  	s8 =	sadd.s32 $0xFFFFE003, lr  }
0x1b: {  	s9 =	sadd.s32 $0xFFFFFEF7, lr;
	s5 =	simm.s32 $0xFFFFFFFF;
	p2 =	slt.u32 s8, $0xFFFFF086  }
0x1c: {  	p1 =	slt.u32 s9, $0xF7A;
	s5 =	simm.s32 @!p2 $0x0  }
0x1d: {  	s5 =	simm.s32 @p1 $0x1;
	p0 =	seq.s32 s7, s2  }
0x1e: {  	s7 =	smul.u32 @!p0 $0xF7A, s2;
	p2 =	seq.s32 @!p0 s5, $0x0  }
0x1f: {  	s9 =	smul.u32 $0xF7A, s1;
	s8 =	simm.s32 @!p0 $0x1BF5;
	p2 =	por !p2, p0  }
0x20: {  	[sflag:s8] =	ssyncset.s32 @!p0 $0xFFFFF086;
	s6 =	sadd.s32 @!p0 s3, s7;
	s7 =	simm.s32 @!p0 $0x108  }
0x21: {  	s3 =	sadd.s32 s3, s9;
	s6 =	sadd.s32 @!p0 $0x88, s6;
	s7 =	simm.s32 @p2 $0x1082  }
0x22: {  	[simem:s7], [sflag:s8] =	dma.local @!p0 [hbm:s6], $0xF7A  }
0x23: {  	s9 =	sor.u32 $0xD0000000, s2;
	s6 =	simm.s32 $0x108;
	_ =	swait.ge @!p0 [sflag:s8], $0x0  }
0x24: {  	s3 =	sadd.s32 $0x88, s3;
	s6 =	simm.s32 @!p1 $0x1082;
	[sflag:s4] =	ssyncset.s32 $0xFFFFF086  }
0x25: {  	[simem:s6], [sflag:s4] =	dma.local [hbm:s3], $0xF7A  }
0x26: {  	[smem:$0x3F9F] =	sst s1;
	(tag) =	ssettag s2;
	_ =	strace s9  }
0x27: {  	s1 =	sld [smem:$0x3FAF]  }
0x28: {  	s2 =	sld [smem:$0x3FB0]  }
0x29: {  	s4 =	sld [smem:$0x3FB2]  }
0x2a: {  	p0 =	seq.s32 s5, $0x0;
	s5 =	sld [smem:$0x3FB3]  }
0x2b: {  	s6 =	sld [smem:$0x3FB4]  }
0x2c: {  	s7 =	sld [smem:$0x3FB5]  }
0x2d: {  	s3 =	simm.s32 $0x108;
	s8 =	sld [smem:$0x3FB6]  }
0x2e: {  	s3 =	simm.s32 @!p0 $0x1082;
	s9 =	sld [smem:$0x3FB7]  }
0x2f: {  	lr =	sadd.s32 s0, s3;
	s0 =	sld [smem:$0x3FAE]  }
0x30: {  	s3 =	sld [smem:$0x3FB1]  }
0x31: {  	[smem:$0x3FBA] =	sst s10  }
0x32: {  	s10 =	sld [smem:$0x3FB8];
	_ =	sdelay $0x3  }
0x33: {  	p0 =	seq.s32 s10, $0x1;
	s10 =	sld [smem:$0x3FBA];
	_ =	sdelay $0x3  }
0x34: {  	[smem:$0x3FBA] =	sst s10  }
0x35: {  	s10 =	sld [smem:$0x3FB9];
	_ =	sdelay $0x3  }
0x36: {  	p1 =	seq.s32 s10, $0x1;
	s10 =	sld [smem:$0x3FBA];
	_ =	sdelay $0x3  }
0x37: {  	[smem:$0x3FBA] =	sst s10  }
0x38: {  	s10 =	sld [smem:$0x3FBB]  }
0x39: {  	_ = 	snop;
	(pc) =	sbr.ind lr, $3  }
0x3a: {  	_ = 	snop  }
0x3b: {  	_ = 	snop  }
0x3c: {  	p2 =	seq.s32 s10, $0x1;
	s10 =	sld [smem:$0x3FBA]  }
0x3d: {  	_ =	shalt  }
0x3e: {  	_ =	shalt  }
0x3f: {  	_ =	shalt  }
0x40: {  	_ =	shalt  }
0x41: {  	_ =	shalt  }
0x42: {  	_ =	shalt  }
0x43: {  	_ =	shalt  }
0x44: {  	_ =	shalt  }
0x45: {  	_ =	shalt  }
0x46: {  	_ =	shalt  }
0x47: {  	_ =	shalt  }
0x48: {  	_ =	shalt  }
0x49: {  	_ =	shalt  }
0x4a: {  	_ =	shalt  }
0x4b: {  	_ =	shalt  }
0x4c: {  	_ =	shalt  }
0x4d: {  	_ =	shalt  }
0x4e: {  	_ =	shalt  }
0x4f: {  	_ =	shalt  }
0x50: {  	_ =	shalt  }
0x51: {  	_ =	shalt  }
0x52: {  	_ =	shalt  }
0x53: {  	_ =	shalt  }
0x54: {  	_ =	shalt  }
0x55: {  	_ =	shalt  }
0x56: {  	_ =	shalt  }
0x57: {  	_ =	shalt  }
0x58: {  	_ =	shalt  }
0x59: {  	_ =	shalt  }
0x5a: {  	_ =	shalt  }
0x5b: {  	_ =	shalt  }
0x5c: {  	_ =	shalt  }
0x5d: {  	_ =	shalt  }
0x5e: {  	_ =	shalt  }
0x5f: {  	_ =	shalt  }
0x60: {  	_ =	shalt  }
0x61: {  	_ =	shalt  }
0x62: {  	_ =	shalt  }
0x63: {  	_ =	shalt  }
0x64: {  	_ =	shalt  }
0x65: {  	_ =	shalt  }
0x66: {  	_ =	shalt  }
0x67: {  	_ =	shalt  }
0x68: {  	_ =	shalt  }
0x69: {  	_ =	shalt  }
0x6a: {  	_ =	shalt  }
0x6b: {  	_ =	shalt  }
0x6c: {  	_ =	shalt  }
0x6d: {  	_ =	shalt  }
0x6e: {  	_ =	shalt  }
0x6f: {  	_ =	shalt  }
0x70: {  	_ =	shalt  }
0x71: {  	_ =	shalt  }
0x72: {  	_ =	shalt  }
0x73: {  	_ =	shalt  }
0x74: {  	_ =	shalt  }
0x75: {  	_ =	shalt  }
0x76: {  	_ =	shalt  }
0x77: {  	_ =	shalt  }
0x78: {  	_ =	shalt  }
0x79: {  	_ =	shalt  }
0x7a: {  	_ =	shalt  }
0x7b: {  	_ =	shalt  }
0x7c: {  	_ =	shalt  }
0x7d: {  	_ =	shalt  }
0x7e: {  	_ =	shalt  }
0x7f: {  	_ =	shalt  }
0x80: {  	_ =	shalt  }
0x81: {  	_ =	shalt  }
0x82: {  	_ =	shalt  }
0x83: {  	_ =	shalt  }
0x84: {  	_ =	shalt  }
0x85: {  	_ =	shalt  }
0x86: {  	_ =	shalt  }
0x87: {  	_ =	shalt  }
.Lfunc_end0:
.L_simem_size_0:
called_computation_lowered:
.L_overlay_start_0:
0x88: {  	s2 =	sld [smem:$0x3FD9]  }
0x89: {  	s3 =	sld [smem:$0x3FFE];
	_ =	sdelay $0x1  }
0x8a: {  	s1 =	srdreg.scid  }
0x8b: {  	s0 =	sand.u32 $0x1, s1  }
0x8c: {  	s14 =	sshll.u32 s0, $0xA;
	s2 =	sadd.s32 s3, s2  }
0x8d: {  	s2 =	sadd.s32 s2, s14  }
0x8e: {  	[smem:$0x3FC6] =	sst s2  }
0x8f: {  	_ = 	snop  }
0x90: {  	s2 =	sld [smem:$0x3FD0];
	_ =	sdelay $0x2  }
0x91: {  	s4 =	simm.s32 $0xA;
	s5 =	simm.s32 $0x10;
	s15 =	sld [smem:$0x3FC9]  }
0x92: {  	[smem:s5], [sflag:s4] =	dma.local [hbm:s2], $0x1  }
0x93: {  	_ =	swait.eq [sflag:s4], $0x1  }
0x94: {  	[sflag:s4] =	ssyncset.done $0x0  }
0x95: {  	[sflag:s4] =	ssyncadd.s32 $0xFFFFFFFF  }
0x96: {  	s16 =	sld [smem:$0x11];
	(tm) =	ssettm $0x1  }
0x97: {  	s17 =	sld [smem:$0x3FFB];
	_ =	sdelay $0x3  }
0x98: {  	_ =	strace s17  }
0x99: {  	s4 =	sld [smem:$0x3FFC];
	_ =	sdelay $0x3  }
0x9a: {  	_ =	strace s4  }
0x9b: {  	s4 =	sld [smem:$0x3FFD];
	_ =	sdelay $0x3  }
0x9c: {  	_ =	strace s4  }
0x9d: {  	_ =	strace $0x8FFFFFFF  }
0x9e: {  	s18 =	sld [smem:$0x3FDB];
	_ =	sdelay $0x1  }
0x9f: {  	s19 =	simm.s32 $_scs_section_size  }
0xa0: {  	s6 =	simm.s32 $_size__tile_overlayer_lowered;
	s7 =	simm.s32 $_tile_overlayer_lowered  }
0xa1: {  	s22 =	simm.s32 $0x1BFF;
	s21 =	sshll.u32 s7, $0x1;
	s4 =	sadd.s32 s19, s18  }
0xa2: {  	s8 =	simm.s32 $0x0;
	s20 =	sshll.u32 s6, $0x1;
	s6 =	sadd.s32 s21, s4  }
0xa3: {  	[timem:s8], [sflag:s22] =	dma.local [hbm:s6], s20  }
0xa4: {  	_ =	swait.ge [sflag:s22], s20  }
0xa5: {  	s5 =	ssub.s32 $0x0, s20;
	[sflag:s22] =	ssyncset.done $0x0  }
0xa6: {  	[sflag:s22] =	ssyncadd.s32 s5;
	_ =	sdelay $0x1  }
0xa7: {  	s23 =	simm.s32 $0x1B8B  }
0xa8: {  	_ =	swait.ge [sflag:s23], $0x1  }
0xa9: {  	[sflag:s23] =	ssyncset.done $0x0  }
0xaa: {  	s25 =	simm.s32 $0x1B8E;
	s24 =	sld [smem:$0x3FFE];
	[sflag:s23] =	ssyncadd.s32 $0xFFFFFFFF  }
0xab: {  	s26 =	simm.s32 $execute0_lowered;
	[smem:$0x3FD2] =	sst s25  }
0xac: {  	s6 =	sshll.u32 s26, $0x1;
	_ =	strace $0x80000046;
	[dreg:$0x1] =	wrdreg $0xFFFFFFFF  }
0xad: {  	s28 =	simm.s32 $_size_execute0_lowered;
	s4 =	sadd.s32 s4, s6;
	[dreg:$0x0] =	wrdreg $0x0  }
0xae: {  	s6 =	sshll.u32 s28, $0x1;
	[dreg:$0x2] =	wrdreg s4  }
0xaf: {  	[dreg:$0x3] =	wrdreg s6  }
0xb0: {  	[dreg:$0x4] =	wrdreg $0xC0  }
0xb1: {  	_ =	task [dreg:s8], $0x5FFFF  }
0xb2: {  	[dreg:$0x1] =	wrdreg $0xFFFFFFFF  }
0xb3: {  	[dreg:$0x0] =	wrdreg $0x60  }
0xb4: {  	[dreg:$0x2] =	wrdreg s15  }
0xb5: {  	[dreg:$0x3] =	wrdreg s16  }
0xb6: {  	[dreg:$0x4] =	wrdreg s24  }
0xb7: {  	[dreg:$0x5] =	wrdreg $0x9  }
0xb8: {  	_ =	task.clear_ibuf [dreg:s8], $0x6FFFF;
	_ =	strace $0x90000046  }
0xb9: {  	s29 =	simm.s32 $0x9;
	_ =	strace $0x80000048  }
0xba: {  	_ =	swait.ge [sflag:s29], $0x1  }
0xbb: {  	[sflag:s29] =	ssyncadd.s32 $0xFFFFFFFF  }
0xbc: {  	_ =	strace $0x90000048  }
0xbd: {  	_ =	sfence  }
0xbe: {  	s30 =	sld [smem:$0x0];
	_ =	sdelay $0x2  }
0xbf: {  	s31 =	sshll.u32 s1, $0xD;
	s1 =	sshrl.u32 s1, $0x2  }
0xc0: {  	s3 =	sand.u32 $0x4000, s31;
	s1 =	sadd.s32 s1, s30  }
0xc1: {  	s0 =	sor.u32 s3, s0;
	s1 =	sshll.u32 s1, $0x11  }
0xc2: {  	s0 =	sor.u32 s1, s0  }
0xc3: {  	s0 =	sadd.s32 $0x8F2B, s0  }
0xc4: {  	[sflag:s0] =	ssyncadd.remote.s32 $0x1  }
0xc5: {  	_ =	sfence.sel $0xFFFF  }
0xc6: {  	[dreg:$0x0] =	wrdreg $0xFFFFFFFF;
	(pc) =	sbr.abs _section_cstart, $3  }
0xc7: {  	[dreg:$0x1] =	wrdreg $0xFFFFFFFF  }
0xc8: {  	_ =	task.clear_ibuf [dreg:s8], $0x2FFFF;
	_ =	strace $0x9FFFFFFF  }
0xc9: {  	(tm) =	ssettm $0x7FFFFFFF  }
tec
execute0_lowered:
.L_overlay_start_1:
0x0: {  	(tag) =	ssettag $0x1  }
0x1: {  	s1 =	rddreg [dreg:$0x0];
	s2 =	srdreg.scid  }
0x2: {  	s4 =	rddreg [dreg:$0x1];
	s0 =	stileid.u32;
	s16 =	sand.u32 $0x1, s2  }
0x3: {  	s18 =	rddreg [dreg:$0x2];
	s5 =	sshll.u32 s0, $0x5;
	s6 =	sshll.u32 s16, $0x4  }
0x4: {  	s3 =	simm.s32 $0x0;
	s2 =	rddreg [dreg:$0x3];
	s19 =	sor.u32 s6, s5  }
0x5: {  	[smem:$0x7FF] =	sst s3;
	s5 =	sshrl.u32 s19, $0x3  }
0x6: {  	_ =	strace $0x80000047;
	s5 =	sadd.s32 s4, s5;
	s4 =	simm.s32 $0x2  }
0x7: {  	[tilespmem:s3], [sflag:$0x2] =	stream.linear.gather [hbm4b:s5+s3], $0x10, $0x38;
	[tilespmem:$0x4080] =	vst v63  }
0x8: {  	_ =	swait.ge [sflag:s4], $0x10  }
0x9: {  	[sflag:s4] =	ssyncset.done $0x0  }
0xa: {  	[sflag:s4] =	ssyncadd.s32 $0xFFFFFFF0  }
0xb: {  	v0 =	vld [tilespmem:$0x0];
	_ =	sdelay $0x4  }
0xc: {  	v1 =	vshll.u32 v0, $0x3  }
0xd: {  	v2 =	vlaneseq.u32;
	v3 =	vand.u32 $0x7, v0;
	v1 =	vand.u32 $0xFFFFFFC0, v1  }
0xe: {  	v4 =	vshrl.u32 v2, $0x3;
	v0 =	vand.u32 $0x7, v2;
	v3 =	vor.u32 v3, v1  }
0xf: {  	v1 =	vmul.u32 $0x8, v4;
	v63 =	vperm.xlane v3, v0;
	_ =	sdelay $0x1  }
0x10: {  	v4 =	vadd.s32 v1, v63;
	_ =	sdelay $0x3  }
0x11: {  	vm0 =	vmmov $0xffff;
	s6 =	simm.s32 $0x80  }
0x12: {  	v2 =	vor.u32 $0x8, v2;
	[tilespmem:s6], [sflag:$0x1] =	stream.indirect_vreg.gather [hbm4b:s1+s3], $0x80, v4, vm0, $0xb8;
	[tilespmem:$0x4080] =	vst v63  }
0x13: {  	s8 =	simm.s32 $0x880;
	s7 =	sadd.s32 $0x100, s1;
	v3 =	vperm.xlane v3, v2  }
0x14: {  	[tilespmem:s8], [sflag:$0x1] =	stream.indirect_vreg.gather [hbm4b:s7+s3], $0x80, v4, vm0, $0xb8;
	[tilespmem:$0x4080] =	vst v63  }
0x15: {  	s10 =	simm.s32 $0x1080;
	s9 =	sadd.s32 $0x200, s1;
	v3 =	vadd.s32 v1, v3  }
0x16: {  	[tilespmem:s10], [sflag:$0x1] =	stream.indirect_vreg.gather [hbm4b:s9+s3], $0x80, v4, vm0, $0xb8;
	[tilespmem:$0x4080] =	vst v63  }
0x17: {  	s12 =	simm.s32 $0x1880;
	s11 =	sadd.s32 $0x300, s1  }
0x18: {  	[tilespmem:s12], [sflag:$0x1] =	stream.indirect_vreg.gather [hbm4b:s11+s3], $0x80, v4, vm0, $0xb8;
	[tilespmem:$0x4080] =	vst v63  }
0x19: {  	s13 =	simm.s32 $0x2080;
	s20 =	ssub.s32 $0x2, s16  }
0x1a: {  	[tilespmem:s13], [sflag:$0x1] =	stream.indirect_vreg.gather [hbm4b:s1+s3], $0x80, v3, vm0, $0xb8;
	[tilespmem:$0x4080] =	vst v63  }
0x1b: {  	s14 =	simm.s32 $0x2880;
	s15 =	simm.s32 $0x3080;
	s21 =	sshrl.u32 s20, $0x1  }
0x1c: {  	[tilespmem:s14], [sflag:$0x1] =	stream.indirect_vreg.gather [hbm4b:s7+s3], $0x80, v3, vm0, $0xb8;
	[tilespmem:$0x4080] =	vst v63  }
0x1d: {  	s17 =	simm.s32 $0x1;
	s19 =	sshll.u32 s19, $0x7;
	s31 =	ssub.s32 s20, s21  }
0x1e: {  	[tilespmem:s15], [sflag:$0x1] =	stream.indirect_vreg.gather [hbm4b:s9+s3], $0x80, v3, vm0, $0xb8;
	[tilespmem:$0x4080] =	vst v63  }
0x1f: {  	s16 =	simm.s32 $0x3880;
	s18 =	sadd.s32 s19, s18;
	s19 =	smax.u32 s31, $0x1  }
0x20: {  	[tilespmem:s16], [sflag:$0x1] =	stream.indirect_vreg.gather [hbm4b:s11+s3], $0x80, v3, vm0, $0xb8;
	[tilespmem:$0x4080] =	vst v63  }
0x21: {  	p0 =	sne.s32 s19, $0x1;
	_ =	swait.ge [sflag:s17], $0x4000  }
.Ltmp0:
0x22: {  	[sflag:s17] =	ssyncset.done $0x0;
	(pc) =	sbr.rel @!p0 .LBB2_2-.Ltmp0, $4  }
0x23: {  	s18 =	sadd.s32 $0xA00, s18;
	[sflag:s17] =	ssyncadd.s32 $0xFFFFC000  }
0x24: {  	[hbm4b:s18+s3] =	stream.linear.scatter [tilespmem:s6], [sflag:$0x2], $0x4000, $0x38;
	[tilespmem:$0x4080] =	vst v63  }
0x25: {  	_ =	swait.ge [sflag:s4], $0x4000  }
0x26: {  	s19 =	sadd.s32 $0xFFFFFFFF, s19;
	[sflag:s4] =	ssyncset.done $0x0  }
.LBB2_1:
0x27: {  	p0 =	sne.s32 s19, $0x1;
	s19 =	sadd.s32 $0xFFFFFFFF, s19;
	[sflag:s4] =	ssyncadd.s32 $0xFFFFC000  }
0x28: {  	[tilespmem:s3], [sflag:$0x2] =	stream.linear.gather [hbm4b:s5+s3], $0x10, $0x38;
	[tilespmem:$0x4080] =	vst v63  }
0x29: {  	_ =	swait.ge [sflag:s4], $0x10  }
0x2a: {  	[sflag:s4] =	ssyncset.done $0x0  }
0x2b: {  	[sflag:s4] =	ssyncadd.s32 $0xFFFFFFF0  }
0x2c: {  	v3 =	vld [tilespmem:$0x0];
	_ =	sdelay $0x4  }
0x2d: {  	v4 =	vshll.u32 v3, $0x3  }
0x2e: {  	v3 =	vand.u32 $0x7, v3;
	v4 =	vand.u32 $0xFFFFFFC0, v4  }
0x2f: {  	v3 =	vor.u32 v3, v4  }
0x30: {  	v4 =	vperm.xlane v3, v0;
	v3 =	vperm.xlane v3, v2;
	_ =	sdelay $0x1  }
0x31: {  	v4 =	vadd.s32 v1, v4;
	_ =	sdelay $0x4  }
0x32: {  	[tilespmem:s6], [sflag:$0x1] =	stream.indirect_vreg.gather [hbm4b:s1+s3], $0x80, v4, vm0, $0xb8;
	[tilespmem:$0x4080] =	vst v63  }
0x33: {  	_ = 	snop  }
0x34: {  	[tilespmem:s8], [sflag:$0x1] =	stream.indirect_vreg.gather [hbm4b:s7+s3], $0x80, v4, vm0, $0xb8;
	[tilespmem:$0x4080] =	vst v63  }
0x35: {  	v3 =	vadd.s32 v1, v3  }
0x36: {  	[tilespmem:s10], [sflag:$0x1] =	stream.indirect_vreg.gather [hbm4b:s9+s3], $0x80, v4, vm0, $0xb8;
	[tilespmem:$0x4080] =	vst v63  }
0x37: {  	_ = 	snop  }
0x38: {  	[tilespmem:s12], [sflag:$0x1] =	stream.indirect_vreg.gather [hbm4b:s11+s3], $0x80, v4, vm0, $0xb8;
	[tilespmem:$0x4080] =	vst v63  }
0x39: {  	_ = 	snop  }
0x3a: {  	[tilespmem:s13], [sflag:$0x1] =	stream.indirect_vreg.gather [hbm4b:s1+s3], $0x80, v3, vm0, $0xb8;
	[tilespmem:$0x4080] =	vst v63  }
0x3b: {  	_ = 	snop  }
0x3c: {  	[tilespmem:s14], [sflag:$0x1] =	stream.indirect_vreg.gather [hbm4b:s7+s3], $0x80, v3, vm0, $0xb8;
	[tilespmem:$0x4080] =	vst v63  }
0x3d: {  	_ = 	snop  }
0x3e: {  	[tilespmem:s15], [sflag:$0x1] =	stream.indirect_vreg.gather [hbm4b:s9+s3], $0x80, v3, vm0, $0xb8;
	[tilespmem:$0x4080] =	vst v63  }
0x3f: {  	_ = 	snop  }
0x40: {  	[tilespmem:s16], [sflag:$0x1] =	stream.indirect_vreg.gather [hbm4b:s11+s3], $0x80, v3, vm0, $0xb8;
	[tilespmem:$0x4080] =	vst v63  }
0x41: {  	_ =	swait.ge [sflag:s17], $0x4000  }
.Ltmp1:
0x42: {  	[sflag:s17] =	ssyncset.done $0x0;
	(pc) =	sbr.rel @p0 .LBB2_1-.Ltmp1, $4  }
0x43: {  	[sflag:s17] =	ssyncadd.s32 $0xFFFFC000  }
0x44: {  	[hbm4b:s18+s3] =	stream.linear.scatter [tilespmem:s6], [sflag:$0x2], $0x4000, $0x38;
	[tilespmem:$0x4080] =	vst v63  }
0x45: {  	_ =	swait.ge [sflag:s4], $0x4000  }
0x46: {  	[sflag:s4] =	ssyncset.done $0x0  }
.LBB2_2:
0x47: {  	[sflag:s4] =	ssyncadd.s32 $0xFFFFC000  }
0x48: {  	_ =	sfence.sel $0x180000  }
0x49: {  	[bflag:$0x0] =	sbarrier.arrive $0xFFFF  }
0x4a: {  	p0 =	sne.s32 s0, $0x0;
	_ =	strace $0x90000047  }
0x4b: {  	s0 =	sadd.s32 @!p0 $0x100000, s2;
	[bflag:$0x2] =	sbarrier.arrive $0xFFFF  }
0x4c: {  	[sflag:s0] =	ssyncadd.tile.s32 @!p0 $0x1;
	_ =	shalt  }
.Lfunc_end2:
_tile_overlayer_lowered:
.L_overlay_start_2:
0x4d: {  	(tag) =	ssettag $0x2  }
0x4e: {  	s0 =	rddreg [dreg:$0x0];
	s2 =	stileid.u32  }
0x4f: {  	s1 =	rddreg [dreg:$0x1];
	p0 =	sne.s32 s2, $0x0  }
0x50: {  	s3 =	rddreg [dreg:$0x2];
	[bflag:$0x3] =	sbarrier.arrive $0xFFFF;
	s2 =	simm.s32 @!p0 $0x1C02  }
0x51: {  	[timem:s3], [sflag:s2] =	dma.local @!p0 [hbm:s0], s1  }
0x52: {  	s0 =	simm.s32 @!p0 $0x2  }
0x53: {  	_ =	swait.ge @!p0 [sflag:s0], s1  }
0x54: {  	s1 =	ssub.s32 @!p0 $0x0, s1;
	[sflag:s0] =	ssyncset.done @!p0 $0x0  }
0x55: {  	[sflag:s0] =	ssyncadd.s32 @!p0 s1  }
0x56: {  	[bflag:$0x3] =	sbarrier.arrive $0xFFFF  }
0x57: {  	_ =	shalt  }

</sc_bundles>
